<compile_context>
chip_gen: v7x
topology: tpu7x:2x2x1
jax: 0.10.2.dev20260603
libtpu: 0.0.44.dev20260713+nightly
codegen_flags: <defaults>
</compile_context>

<pallas_src>
import functools

import jax
import jax.numpy as jnp
from jax import lax
from jax.experimental import pallas as pl
from jax.experimental.pallas import tpu as pltpu
from jax.experimental.pallas import tpu_sc as plsc

VOCAB = 8192
N = 8 * 2048
NC, NS = 2, 16
NW = NC * NS
B_PER_W = N // NW
R = 4
NBUF = 2
L = 0
NCH = B_PER_W // R


@functools.partial(
    pl.kernel,
    mesh=plsc.VectorSubcoreMesh(core_axis_name="c", subcore_axis_name="s"),
    out_type=jax.ShapeDtypeStruct((N, VOCAB), jnp.float32),
    scratch_types=[
        pltpu.VMEM((NCH, R), jnp.int32),
        pltpu.VMEM((NBUF, R, VOCAB), jnp.float32),
        pltpu.SemaphoreType.DMA,
        pltpu.SemaphoreType.DMA,
    ],
)
def _gather(idx_hbm, table_hbm, out_hbm, idx_v, buf, sem_g, sem_s):
    wid = lax.axis_index("s") * NC + lax.axis_index("c")
    row_base = wid * B_PER_W
    pltpu.sync_copy(idx_hbm.at[pl.ds(wid * NCH, NCH)], idx_v)

    def start_gather(c):
        slot = lax.rem(c, NBUF)
        pltpu.async_copy(table_hbm.at[idx_v.at[c]], buf.at[slot], sem_g)

    def wait_gather():
        pltpu.make_async_copy(table_hbm.at[pl.ds(0, R)], buf.at[0], sem_g).wait()

    def start_scatter(c):
        slot = lax.rem(c, NBUF)
        pltpu.async_copy(
            buf.at[slot], out_hbm.at[pl.ds(row_base + c * R, R)], sem_s
        )

    def wait_scatter():
        pltpu.make_async_copy(
            buf.at[0], out_hbm.at[pl.ds(row_base, R)], sem_s
        ).wait()

    for c in range(NBUF - L):
        start_gather(c)

    def body(c, _):
        wait_gather()
        start_scatter(c)

        @pl.when(c >= L)
        def _():
            wait_scatter()

        @pl.when(c + NBUF - L < NCH)
        def _():
            start_gather(c + NBUF - L)

        return 0

    lax.fori_loop(0, NCH, body, 0)
    for _ in range(L):
        wait_scatter()


def kernel(idx, table):
    b, t = idx.shape
    flat = _gather(idx.reshape(N // R, R), table)
    return flat.reshape(b, t, VOCAB)

# --- scband reference (transcript-rebuilt; emitter-appended) ---
"""Pipeline reference for scband-bigram-language-model-5695126635029 (READ-ONLY COPY).

The authoritative reference and input builder live on the scoring server;
editing this copy changes nothing except your own understanding.
"""

import jax, jax.numpy as jnp
import numpy as np

VOCAB = 8192
B, T = 8, 2048

def setup_inputs(seed: int = 0) -> dict:
    key = jax.random.key(seed)
    k1, k2 = jax.random.split(key)
    idx = jax.random.randint(k1, (B, T), 0, VOCAB, dtype=jnp.int32)
    table = jax.random.normal(k2, (VOCAB, VOCAB), dtype=jnp.float32)
    return {"idx": idx, "table": table}

def reference(idx, table):
    # BigramLanguageModel.forward with targets=None: logits = embedding(idx)
    logits = jnp.take(table, idx, axis=0)  # [B, T, VOCAB]
    return logits

if __name__ == "__main__":
    import jax
    _d = setup_inputs()
    print(jax.jit(kernel)(*tuple(_d.values())))

</pallas_src>

<mosaic_0001>
#map = affine_map<(d0, d1) -> (0, 0)>
module attributes {stable_mosaic.version = 14 : i64} {
  func.func @_gather(%arg0: i32, %arg1: i32, %arg2: memref<4096x4xi32, #tpu.memory_space<hbm>>, %arg3: memref<8192x8192xf32, #tpu.memory_space<hbm>>, %arg4: memref<16384x8192xf32, #tpu.memory_space<hbm>>, %arg5: memref<128x4xi32, #tpu.memory_space<vmem>>, %arg6: memref<2x4x8192xf32, #tpu.memory_space<vmem>>, %arg7: memref<!tpu.dma_semaphore, #tpu.memory_space<semaphore_mem>>, %arg8: memref<!tpu.dma_semaphore, #tpu.memory_space<semaphore_mem>>) attributes {dimension_semantics = [#tpu.dimension_semantics<core_parallel>, #tpu.dimension_semantics<subcore_parallel>], iteration_bounds = array<i64: 2, 16>, scalar_prefetch = 0 : i64, scratch_operands = 4 : i64, tpu.core_type = #tpu.core_type<sc_vector_subcore>, window_params = [{transform_indices = #map}, {transform_indices = #map}, {transform_indices = #map}]} {
    %mul3A = arith.constant 2 : i32
    %mul3A_0 = arith.muli %arg1, %mul3A : i32
    %add3A = arith.addi %mul3A_0, %arg0 : i32
    %mul3A_1 = arith.constant 512 : i32
    %mul3A_2 = arith.muli %add3A, %mul3A_1 : i32
    %mul3A_3 = arith.constant 128 : i32
    %mul3A_4 = arith.muli %add3A, %mul3A_3 : i32
    "tpu.region"() ({
      %run_scoped3A = tpu.sem_alloc : memref<!tpu.dma_semaphore, #tpu.memory_space<semaphore_mem>>
      %dma_start3A_37 = arith.constant 0 : i32
      %dma_start3A_38 = tpu.memref_slice %arg2[%mul3A_4, %dma_start3A_37] : memref<4096x4xi32, #tpu.memory_space<hbm>> -> memref<128x4xi32, #tpu.memory_space<hbm>>
      %dma_start3A_39 = arith.constant 0 : i32
      %dma_start3A_40 = tpu.memref_slice %arg2[%mul3A_4, %dma_start3A_39] : memref<4096x4xi32, #tpu.memory_space<hbm>> -> memref<128x4xi32, #tpu.memory_space<hbm>>
      tpu.enqueue_dma source(%dma_start3A_40 : memref<128x4xi32, #tpu.memory_space<hbm>>) target(%arg5 : memref<128x4xi32, #tpu.memory_space<vmem>>) target_semaphore(%run_scoped3A : memref<!tpu.dma_semaphore, #tpu.memory_space<semaphore_mem>>)
      %dma_wait3A = arith.constant 0 : i32
      %dma_wait3A_41 = tpu.memref_slice %arg2[%mul3A_4, %dma_wait3A] : memref<4096x4xi32, #tpu.memory_space<hbm>> -> memref<128x4xi32, #tpu.memory_space<hbm>>
      %dma_wait3A_42 = arith.constant 0 : i32
      %dma_wait3A_43 = tpu.memref_slice %arg2[%mul3A_4, %dma_wait3A_42] : memref<4096x4xi32, #tpu.memory_space<hbm>> -> memref<128x4xi32, #tpu.memory_space<hbm>>
      tpu.wait_dma2 semaphore(%run_scoped3A : memref<!tpu.dma_semaphore, #tpu.memory_space<semaphore_mem>>) src(%dma_wait3A_43 : memref<128x4xi32, #tpu.memory_space<hbm>>) dst(%arg5 : memref<128x4xi32, #tpu.memory_space<vmem>>)
      tpu.yield
    }) : () -> ()
    %rem3A = arith.constant 0 : i32
    %rem3A_5 = arith.constant 2 : i32
    %rem3A_6 = arith.remsi %rem3A, %rem3A_5 : i32
    %dma_start3A = arith.constant 0 : i32
    %dma_start3A_7 = arith.constant 0 : i32
    %dma_start3A_8 = arith.constant 0 : i32
    %dma_start3A_9 = tpu.memref_slice %arg6[%rem3A_6, %dma_start3A_7, %dma_start3A_8] : memref<2x4x8192xf32, #tpu.memory_space<vmem>> -> memref<1x4x8192xf32, #tpu.memory_space<vmem>>
    %dma_start3A_10 = tpu.memref_squeeze %dma_start3A_9 : memref<1x4x8192xf32, #tpu.memory_space<vmem>> -> memref<4x8192xf32, #tpu.memory_space<vmem>>
    %dma_start3A_11 = arith.constant 0 : i32
    %dma_start3A_12 = tpu.memref_slice %arg5[%dma_start3A, %dma_start3A_11] : memref<128x4xi32, #tpu.memory_space<vmem>> -> memref<1x4xi32, #tpu.memory_space<vmem>>
    %dma_start3A_13 = tpu.memref_squeeze %dma_start3A_12 : memref<1x4xi32, #tpu.memory_space<vmem>> -> memref<4xi32, #tpu.memory_space<vmem>>
    %dma_start3A_14 = arith.constant 0 : i32
    %dma_start3A_15 = arith.constant 0 : i32
    %dma_start3A_16 = tpu.memref_slice %arg3[%dma_start3A_14, %dma_start3A_15] : memref<8192x8192xf32, #tpu.memory_space<hbm>> -> memref<8192x8192xf32, #tpu.memory_space<hbm>>
    tpu.enqueue_indirect_dma source(%dma_start3A_16 : memref<8192x8192xf32, #tpu.memory_space<hbm>>) target(%dma_start3A_10 : memref<4x8192xf32, #tpu.memory_space<vmem>>) offsets(%dma_start3A_13 : memref<4xi32, #tpu.memory_space<vmem>>) semaphore(%arg7 : memref<!tpu.dma_semaphore, #tpu.memory_space<semaphore_mem>>)
    %rem3A_17 = arith.constant 1 : i32
    %rem3A_18 = arith.constant 2 : i32
    %rem3A_19 = arith.remsi %rem3A_17, %rem3A_18 : i32
    %dma_start3A_20 = arith.constant 1 : i32
    %dma_start3A_21 = arith.constant 0 : i32
    %dma_start3A_22 = arith.constant 0 : i32
    %dma_start3A_23 = tpu.memref_slice %arg6[%rem3A_19, %dma_start3A_21, %dma_start3A_22] : memref<2x4x8192xf32, #tpu.memory_space<vmem>> -> memref<1x4x8192xf32, #tpu.memory_space<vmem>>
    %dma_start3A_24 = tpu.memref_squeeze %dma_start3A_23 : memref<1x4x8192xf32, #tpu.memory_space<vmem>> -> memref<4x8192xf32, #tpu.memory_space<vmem>>
    %dma_start3A_25 = arith.constant 0 : i32
    %dma_start3A_26 = tpu.memref_slice %arg5[%dma_start3A_20, %dma_start3A_25] : memref<128x4xi32, #tpu.memory_space<vmem>> -> memref<1x4xi32, #tpu.memory_space<vmem>>
    %dma_start3A_27 = tpu.memref_squeeze %dma_start3A_26 : memref<1x4xi32, #tpu.memory_space<vmem>> -> memref<4xi32, #tpu.memory_space<vmem>>
    %dma_start3A_28 = arith.constant 0 : i32
    %dma_start3A_29 = arith.constant 0 : i32
    %dma_start3A_30 = tpu.memref_slice %arg3[%dma_start3A_28, %dma_start3A_29] : memref<8192x8192xf32, #tpu.memory_space<hbm>> -> memref<8192x8192xf32, #tpu.memory_space<hbm>>
    tpu.enqueue_indirect_dma source(%dma_start3A_30 : memref<8192x8192xf32, #tpu.memory_space<hbm>>) target(%dma_start3A_24 : memref<4x8192xf32, #tpu.memory_space<vmem>>) offsets(%dma_start3A_27 : memref<4xi32, #tpu.memory_space<vmem>>) semaphore(%arg7 : memref<!tpu.dma_semaphore, #tpu.memory_space<semaphore_mem>>)
    %scan3A = arith.constant 0 : i32
    %scan3A_31 = arith.constant 0 : i32
    %scan3A_32 = arith.constant 128 : i32
    %scan3A_33 = arith.addi %scan3A_31, %scan3A_32 : i32
    %scan3A_34 = arith.constant 1 : i32
    %scan3A_35 = scf.for %scan3A_37 = %scan3A_31 to %scan3A_33 step %scan3A_34 iter_args(%scan3A_38 = %scan3A) -> (i32)  : i32 {
      %dma_wait3A = arith.constant 0 : i32
      %dma_wait3A_39 = arith.constant 0 : i32
      %dma_wait3A_40 = arith.constant 0 : i32
      %dma_wait3A_41 = tpu.memref_slice %arg6[%dma_wait3A, %dma_wait3A_39, %dma_wait3A_40] : memref<2x4x8192xf32, #tpu.memory_space<vmem>> -> memref<1x4x8192xf32, #tpu.memory_space<vmem>>
      %dma_wait3A_42 = tpu.memref_squeeze %dma_wait3A_41 : memref<1x4x8192xf32, #tpu.memory_space<vmem>> -> memref<4x8192xf32, #tpu.memory_space<vmem>>
      %dma_wait3A_43 = arith.constant 0 : i32
      %dma_wait3A_44 = arith.constant 0 : i32
      %dma_wait3A_45 = tpu.memref_slice %arg3[%dma_wait3A_43, %dma_wait3A_44] : memref<8192x8192xf32, #tpu.memory_space<hbm>> -> memref<4x8192xf32, #tpu.memory_space<hbm>>
      %dma_wait3A_46 = arith.constant 0 : i32
      %dma_wait3A_47 = arith.constant 0 : i32
      %dma_wait3A_48 = tpu.memref_slice %arg6[%dma_wait3A, %dma_wait3A_46, %dma_wait3A_47] : memref<2x4x8192xf32, #tpu.memory_space<vmem>> -> memref<1x4x8192xf32, #tpu.memory_space<vmem>>
      %dma_wait3A_49 = tpu.memref_squeeze %dma_wait3A_48 : memref<1x4x8192xf32, #tpu.memory_space<vmem>> -> memref<4x8192xf32, #tpu.memory_space<vmem>>
      %dma_wait3A_50 = arith.constant 0 : i32
      %dma_wait3A_51 = arith.constant 0 : i32
      %dma_wait3A_52 = tpu.memref_slice %arg3[%dma_wait3A_50, %dma_wait3A_51] : memref<8192x8192xf32, #tpu.memory_space<hbm>> -> memref<4x8192xf32, #tpu.memory_space<hbm>>
      tpu.wait_dma2 semaphore(%arg7 : memref<!tpu.dma_semaphore, #tpu.memory_space<semaphore_mem>>) src(%dma_wait3A_52 : memref<4x8192xf32, #tpu.memory_space<hbm>>) dst(%dma_wait3A_49 : memref<4x8192xf32, #tpu.memory_space<vmem>>)
      %rem3A_53 = arith.constant 2 : i32
      %rem3A_54 = arith.remsi %scan3A_37, %rem3A_53 : i32
      %mul3A_55 = arith.constant 4 : i32
      %mul3A_56 = arith.muli %scan3A_37, %mul3A_55 : i32
      %add3A_57 = arith.addi %mul3A_2, %mul3A_56 : i32
      %dma_start3A_58 = arith.constant 0 : i32
      %dma_start3A_59 = arith.constant 0 : i32
      %dma_start3A_60 = tpu.memref_slice %arg6[%rem3A_54, %dma_start3A_58, %dma_start3A_59] : memref<2x4x8192xf32, #tpu.memory_space<vmem>> -> memref<1x4x8192xf32, #tpu.memory_space<vmem>>
      %dma_start3A_61 = tpu.memref_squeeze %dma_start3A_60 : memref<1x4x8192xf32, #tpu.memory_space<vmem>> -> memref<4x8192xf32, #tpu.memory_space<vmem>>
      %dma_start3A_62 = arith.constant 0 : i32
      %dma_start3A_63 = tpu.memref_slice %arg4[%add3A_57, %dma_start3A_62] : memref<16384x8192xf32, #tpu.memory_space<hbm>> -> memref<4x8192xf32, #tpu.memory_space<hbm>>
      %dma_start3A_64 = arith.constant 0 : i32
      %dma_start3A_65 = tpu.memref_slice %arg4[%add3A_57, %dma_start3A_64] : memref<16384x8192xf32, #tpu.memory_space<hbm>> -> memref<4x8192xf32, #tpu.memory_space<hbm>>
      %dma_start3A_66 = arith.constant 0 : i32
      %dma_start3A_67 = arith.constant 0 : i32
      %dma_start3A_68 = tpu.memref_slice %arg6[%rem3A_54, %dma_start3A_66, %dma_start3A_67] : memref<2x4x8192xf32, #tpu.memory_space<vmem>> -> memref<1x4x8192xf32, #tpu.memory_space<vmem>>
      %dma_start3A_69 = tpu.memref_squeeze %dma_start3A_68 : memref<1x4x8192xf32, #tpu.memory_space<vmem>> -> memref<4x8192xf32, #tpu.memory_space<vmem>>
      tpu.enqueue_dma source(%dma_start3A_69 : memref<4x8192xf32, #tpu.memory_space<vmem>>) target(%dma_start3A_65 : memref<4x8192xf32, #tpu.memory_space<hbm>>) target_semaphore(%arg8 : memref<!tpu.dma_semaphore, #tpu.memory_space<semaphore_mem>>)
      %ge3A = arith.constant 0 : i32
      %ge3A_70 = arith.cmpi sge, %scan3A_37, %ge3A : i32
      %convert_element_type3A = arith.extui %ge3A_70 : i1 to i32
      %cond3A = arith.constant 0 : i32
      %cond3A_71 = arith.cmpi ne, %convert_element_type3A, %cond3A : i32
      scf.if %cond3A_71 {
        %dma_wait3A_80 = arith.constant 0 : i32
        %dma_wait3A_81 = arith.constant 0 : i32
        %dma_wait3A_82 = arith.constant 0 : i32
        %dma_wait3A_83 = tpu.memref_slice %arg6[%dma_wait3A_80, %dma_wait3A_81, %dma_wait3A_82] : memref<2x4x8192xf32, #tpu.memory_space<vmem>> -> memref<1x4x8192xf32, #tpu.memory_space<vmem>>
        %dma_wait3A_84 = tpu.memref_squeeze %dma_wait3A_83 : memref<1x4x8192xf32, #tpu.memory_space<vmem>> -> memref<4x8192xf32, #tpu.memory_space<vmem>>
        %dma_wait3A_85 = arith.constant 0 : i32
        %dma_wait3A_86 = tpu.memref_slice %arg4[%mul3A_2, %dma_wait3A_85] : memref<16384x8192xf32, #tpu.memory_space<hbm>> -> memref<4x8192xf32, #tpu.memory_space<hbm>>
        %dma_wait3A_87 = arith.constant 0 : i32
        %dma_wait3A_88 = tpu.memref_slice %arg4[%mul3A_2, %dma_wait3A_87] : memref<16384x8192xf32, #tpu.memory_space<hbm>> -> memref<4x8192xf32, #tpu.memory_space<hbm>>
        %dma_wait3A_89 = arith.constant 0 : i32
        %dma_wait3A_90 = arith.constant 0 : i32
        %dma_wait3A_91 = tpu.memref_slice %arg6[%dma_wait3A_80, %dma_wait3A_89, %dma_wait3A_90] : memref<2x4x8192xf32, #tpu.memory_space<vmem>> -> memref<1x4x8192xf32, #tpu.memory_space<vmem>>
        %dma_wait3A_92 = tpu.memref_squeeze %dma_wait3A_91 : memref<1x4x8192xf32, #tpu.memory_space<vmem>> -> memref<4x8192xf32, #tpu.memory_space<vmem>>
        tpu.wait_dma2 semaphore(%arg8 : memref<!tpu.dma_semaphore, #tpu.memory_space<semaphore_mem>>) src(%dma_wait3A_92 : memref<4x8192xf32, #tpu.memory_space<vmem>>) dst(%dma_wait3A_88 : memref<4x8192xf32, #tpu.memory_space<hbm>>)
      } else {
      }
      %add3A_72 = arith.constant 2 : i32
      %add3A_73 = arith.addi %scan3A_37, %add3A_72 : i32
      %sub3A = arith.constant 0 : i32
      %sub3A_74 = arith.subi %add3A_73, %sub3A : i32
      %lt3A = arith.constant 128 : i32
      %lt3A_75 = arith.cmpi slt, %sub3A_74, %lt3A : i32
      %convert_element_type3A_76 = arith.extui %lt3A_75 : i1 to i32
      %cond3A_77 = arith.constant 0 : i32
      %cond3A_78 = arith.cmpi ne, %convert_element_type3A_76, %cond3A_77 : i32
      scf.if %cond3A_78 {
        %add3A_80 = arith.constant 2 : i32
        %add3A_81 = arith.addi %scan3A_37, %add3A_80 : i32
        %sub3A_82 = arith.constant 0 : i32
        %sub3A_83 = arith.subi %add3A_81, %sub3A_82 : i32
        %rem3A_84 = arith.constant 2 : i32
        %rem3A_85 = arith.remsi %sub3A_83, %rem3A_84 : i32
        %dma_start3A_86 = arith.constant 0 : i32
        %dma_start3A_87 = arith.constant 0 : i32
        %dma_start3A_88 = tpu.memref_slice %arg6[%rem3A_85, %dma_start3A_86, %dma_start3A_87] : memref<2x4x8192xf32, #tpu.memory_space<vmem>> -> memref<1x4x8192xf32, #tpu.memory_space<vmem>>
        %dma_start3A_89 = tpu.memref_squeeze %dma_start3A_88 : memref<1x4x8192xf32, #tpu.memory_space<vmem>> -> memref<4x8192xf32, #tpu.memory_space<vmem>>
        %dma_start3A_90 = arith.constant 0 : i32
        %dma_start3A_91 = tpu.memref_slice %arg5[%sub3A_83, %dma_start3A_90] : memref<128x4xi32, #tpu.memory_space<vmem>> -> memref<1x4xi32, #tpu.memory_space<vmem>>
        %dma_start3A_92 = tpu.memref_squeeze %dma_start3A_91 : memref<1x4xi32, #tpu.memory_space<vmem>> -> memref<4xi32, #tpu.memory_space<vmem>>
        %dma_start3A_93 = arith.constant 0 : i32
        %dma_start3A_94 = arith.constant 0 : i32
        %dma_start3A_95 = tpu.memref_slice %arg3[%dma_start3A_93, %dma_start3A_94] : memref<8192x8192xf32, #tpu.memory_space<hbm>> -> memref<8192x8192xf32, #tpu.memory_space<hbm>>
        tpu.enqueue_indirect_dma source(%dma_start3A_95 : memref<8192x8192xf32, #tpu.memory_space<hbm>>) target(%dma_start3A_89 : memref<4x8192xf32, #tpu.memory_space<vmem>>) offsets(%dma_start3A_92 : memref<4xi32, #tpu.memory_space<vmem>>) semaphore(%arg7 : memref<!tpu.dma_semaphore, #tpu.memory_space<semaphore_mem>>)
      } else {
      }
      %scan3A_79 = arith.constant 0 : i32
      scf.yield %scan3A_79 : i32
    }
    %scan3A_36 = arith.constant 128 : i32
    return
  }
}

</mosaic_0001>

<sc_bundles>
// kernel: kernel.3.cloned.1.call-start
scs
__scs_entry_jumppad:
0x0: {  	(pc) =	sbr.rel $0x88, $3  }
0x1: {  	(tag) =	ssettag $0x0;
	lr =	simm.s32 $0x1  }
0x2: {  	[smem:$0x3F9F] =	sst lr;
	_ =	strace $0xD0000000  }
0x3: {  	_ = 	snop  }
0x4: {  	_ = 	snop  }
0x5: {  	_ = 	snop  }
0x6: {  	_ = 	snop  }
0x7: {  	_ = 	snop  }
__scs_overlays_trampoline_lowered:
0x8: {  	[smem:$0x3FAE] =	sst s0  }
0x9: {  	[smem:$0x3FAF] =	sst s1  }
0xa: {  	[smem:$0x3FB0] =	sst s2  }
0xb: {  	[smem:$0x3FB1] =	sst s3  }
0xc: {  	[smem:$0x3FB2] =	sst s4  }
0xd: {  	[smem:$0x3FB3] =	sst s5  }
0xe: {  	[smem:$0x3FB4] =	sst s6  }
0xf: {  	[smem:$0x3FB5] =	sst s7  }
0x10: {  	[smem:$0x3FB6] =	sst s8  }
0x11: {  	[smem:$0x3FB7] =	sst s9;
	s0 =	simm.s32 @!p0 $0x0  }
0x12: {  	s1 =	sld [smem:$0x3F9D];
	s0 =	simm.s32 @p0 $0x1  }
0x13: {  	[smem:$0x3FB8] =	sst s0;
	s0 =	simm.s32 @!p1 $0x0  }
0x14: {  	s2 =	sld [smem:$0x3F9C];
	s0 =	simm.s32 @p1 $0x1  }
0x15: {  	[smem:$0x3FB9] =	sst s0;
	s0 =	simm.s32 @!p2 $0x0  }
0x16: {  	s3 =	sld [smem:$0x3FDB];
	s0 =	simm.s32 @p2 $0x1  }
0x17: {  	s4 =	simm.s32 $0x1BF5;
	[smem:$0x3FBB] =	sst s0  }
0x18: {  	s0 =	sld [smem:$0x3F9E];
	_ =	swait.ge [sflag:s4], $0x0  }
0x19: {  	s7 =	sld [smem:$0x3F9F]  }
0x1a: {  	s8 =	sadd.s32 $0xFFFFE003, lr  }
0x1b: {  	s9 =	sadd.s32 $0xFFFFFEF7, lr;
	s5 =	simm.s32 $0xFFFFFFFF;
	p2 =	slt.u32 s8, $0xFFFFF086  }
0x1c: {  	p1 =	slt.u32 s9, $0xF7A;
	s5 =	simm.s32 @!p2 $0x0  }
0x1d: {  	s5 =	simm.s32 @p1 $0x1;
	p0 =	seq.s32 s7, s2  }
0x1e: {  	s7 =	smul.u32 @!p0 $0xF7A, s2;
	p2 =	seq.s32 @!p0 s5, $0x0  }
0x1f: {  	s9 =	smul.u32 $0xF7A, s1;
	s8 =	simm.s32 @!p0 $0x1BF5;
	p2 =	por !p2, p0  }
0x20: {  	[sflag:s8] =	ssyncset.s32 @!p0 $0xFFFFF086;
	s6 =	sadd.s32 @!p0 s3, s7;
	s7 =	simm.s32 @!p0 $0x108  }
0x21: {  	s3 =	sadd.s32 s3, s9;
	s6 =	sadd.s32 @!p0 $0x88, s6;
	s7 =	simm.s32 @p2 $0x1082  }
0x22: {  	[simem:s7], [sflag:s8] =	dma.local @!p0 [hbm:s6], $0xF7A  }
0x23: {  	s9 =	sor.u32 $0xD0000000, s2;
	s6 =	simm.s32 $0x108;
	_ =	swait.ge @!p0 [sflag:s8], $0x0  }
0x24: {  	s3 =	sadd.s32 $0x88, s3;
	s6 =	simm.s32 @!p1 $0x1082;
	[sflag:s4] =	ssyncset.s32 $0xFFFFF086  }
0x25: {  	[simem:s6], [sflag:s4] =	dma.local [hbm:s3], $0xF7A  }
0x26: {  	[smem:$0x3F9F] =	sst s1;
	(tag) =	ssettag s2;
	_ =	strace s9  }
0x27: {  	s1 =	sld [smem:$0x3FAF]  }
0x28: {  	s2 =	sld [smem:$0x3FB0]  }
0x29: {  	s4 =	sld [smem:$0x3FB2]  }
0x2a: {  	p0 =	seq.s32 s5, $0x0;
	s5 =	sld [smem:$0x3FB3]  }
0x2b: {  	s6 =	sld [smem:$0x3FB4]  }
0x2c: {  	s7 =	sld [smem:$0x3FB5]  }
0x2d: {  	s3 =	simm.s32 $0x108;
	s8 =	sld [smem:$0x3FB6]  }
0x2e: {  	s3 =	simm.s32 @!p0 $0x1082;
	s9 =	sld [smem:$0x3FB7]  }
0x2f: {  	lr =	sadd.s32 s0, s3;
	s0 =	sld [smem:$0x3FAE]  }
0x30: {  	s3 =	sld [smem:$0x3FB1]  }
0x31: {  	[smem:$0x3FBA] =	sst s10  }
0x32: {  	s10 =	sld [smem:$0x3FB8];
	_ =	sdelay $0x3  }
0x33: {  	p0 =	seq.s32 s10, $0x1;
	s10 =	sld [smem:$0x3FBA];
	_ =	sdelay $0x3  }
0x34: {  	[smem:$0x3FBA] =	sst s10  }
0x35: {  	s10 =	sld [smem:$0x3FB9];
	_ =	sdelay $0x3  }
0x36: {  	p1 =	seq.s32 s10, $0x1;
	s10 =	sld [smem:$0x3FBA];
	_ =	sdelay $0x3  }
0x37: {  	[smem:$0x3FBA] =	sst s10  }
0x38: {  	s10 =	sld [smem:$0x3FBB]  }
0x39: {  	_ = 	snop;
	(pc) =	sbr.ind lr, $3  }
0x3a: {  	_ = 	snop  }
0x3b: {  	_ = 	snop  }
0x3c: {  	p2 =	seq.s32 s10, $0x1;
	s10 =	sld [smem:$0x3FBA]  }
0x3d: {  	_ =	shalt  }
0x3e: {  	_ =	shalt  }
0x3f: {  	_ =	shalt  }
0x40: {  	_ =	shalt  }
0x41: {  	_ =	shalt  }
0x42: {  	_ =	shalt  }
0x43: {  	_ =	shalt  }
0x44: {  	_ =	shalt  }
0x45: {  	_ =	shalt  }
0x46: {  	_ =	shalt  }
0x47: {  	_ =	shalt  }
0x48: {  	_ =	shalt  }
0x49: {  	_ =	shalt  }
0x4a: {  	_ =	shalt  }
0x4b: {  	_ =	shalt  }
0x4c: {  	_ =	shalt  }
0x4d: {  	_ =	shalt  }
0x4e: {  	_ =	shalt  }
0x4f: {  	_ =	shalt  }
0x50: {  	_ =	shalt  }
0x51: {  	_ =	shalt  }
0x52: {  	_ =	shalt  }
0x53: {  	_ =	shalt  }
0x54: {  	_ =	shalt  }
0x55: {  	_ =	shalt  }
0x56: {  	_ =	shalt  }
0x57: {  	_ =	shalt  }
0x58: {  	_ =	shalt  }
0x59: {  	_ =	shalt  }
0x5a: {  	_ =	shalt  }
0x5b: {  	_ =	shalt  }
0x5c: {  	_ =	shalt  }
0x5d: {  	_ =	shalt  }
0x5e: {  	_ =	shalt  }
0x5f: {  	_ =	shalt  }
0x60: {  	_ =	shalt  }
0x61: {  	_ =	shalt  }
0x62: {  	_ =	shalt  }
0x63: {  	_ =	shalt  }
0x64: {  	_ =	shalt  }
0x65: {  	_ =	shalt  }
0x66: {  	_ =	shalt  }
0x67: {  	_ =	shalt  }
0x68: {  	_ =	shalt  }
0x69: {  	_ =	shalt  }
0x6a: {  	_ =	shalt  }
0x6b: {  	_ =	shalt  }
0x6c: {  	_ =	shalt  }
0x6d: {  	_ =	shalt  }
0x6e: {  	_ =	shalt  }
0x6f: {  	_ =	shalt  }
0x70: {  	_ =	shalt  }
0x71: {  	_ =	shalt  }
0x72: {  	_ =	shalt  }
0x73: {  	_ =	shalt  }
0x74: {  	_ =	shalt  }
0x75: {  	_ =	shalt  }
0x76: {  	_ =	shalt  }
0x77: {  	_ =	shalt  }
0x78: {  	_ =	shalt  }
0x79: {  	_ =	shalt  }
0x7a: {  	_ =	shalt  }
0x7b: {  	_ =	shalt  }
0x7c: {  	_ =	shalt  }
0x7d: {  	_ =	shalt  }
0x7e: {  	_ =	shalt  }
0x7f: {  	_ =	shalt  }
0x80: {  	_ =	shalt  }
0x81: {  	_ =	shalt  }
0x82: {  	_ =	shalt  }
0x83: {  	_ =	shalt  }
0x84: {  	_ =	shalt  }
0x85: {  	_ =	shalt  }
0x86: {  	_ =	shalt  }
0x87: {  	_ =	shalt  }
.Lfunc_end0:
.L_simem_size_0:
called_computation_lowered:
.L_overlay_start_0:
0x88: {  	s2 =	sld [smem:$0x3FD9]  }
0x89: {  	s3 =	sld [smem:$0x3FFE];
	_ =	sdelay $0x1  }
0x8a: {  	s1 =	srdreg.scid  }
0x8b: {  	s0 =	sand.u32 $0x1, s1  }
0x8c: {  	s17 =	sshll.u32 s0, $0xA;
	s2 =	sadd.s32 s3, s2  }
0x8d: {  	s2 =	sadd.s32 s2, s17  }
0x8e: {  	[smem:$0x3FC6] =	sst s2  }
0x8f: {  	_ = 	snop  }
0x90: {  	s2 =	sld [smem:$0x3FC8]  }
0x91: {  	s18 =	sld [smem:$0x3FD0];
	(tm) =	ssettm $0x1  }
0x92: {  	s4 =	sld [smem:$0x3FFB];
	_ =	sdelay $0x3  }
0x93: {  	_ =	strace s4  }
0x94: {  	s4 =	sld [smem:$0x3FFC];
	_ =	sdelay $0x3  }
0x95: {  	_ =	strace s4  }
0x96: {  	s4 =	sld [smem:$0x3FFD];
	_ =	sdelay $0x3  }
0x97: {  	_ =	strace s4  }
0x98: {  	_ =	strace $0x8FFFFFFF  }
0x99: {  	s19 =	sld [smem:$0x3FDB];
	_ =	sdelay $0x1  }
0x9a: {  	s5 =	simm.s32 $_scs_section_size  }
0x9b: {  	s6 =	simm.s32 $_size__tile_overlayer_lowered;
	s7 =	simm.s32 $_tile_overlayer_lowered  }
0x9c: {  	s22 =	simm.s32 $0x1BFF;
	s21 =	sshll.u32 s7, $0x1;
	s4 =	sadd.s32 s5, s19  }
0x9d: {  	s8 =	simm.s32 $0x0;
	s20 =	sshll.u32 s6, $0x1;
	s6 =	sadd.s32 s21, s4  }
0x9e: {  	[timem:s8], [sflag:s22] =	dma.local [hbm:s6], s20  }
0x9f: {  	_ =	swait.ge [sflag:s22], s20  }
0xa0: {  	s5 =	ssub.s32 $0x0, s20;
	[sflag:s22] =	ssyncset.done $0x0  }
0xa1: {  	[sflag:s22] =	ssyncadd.s32 s5;
	_ =	sdelay $0x1  }
0xa2: {  	s23 =	simm.s32 $0x1B8B  }
0xa3: {  	_ =	swait.ge [sflag:s23], $0x1  }
0xa4: {  	[sflag:s23] =	ssyncset.done $0x0  }
0xa5: {  	s25 =	simm.s32 $0x1B8E;
	s24 =	sld [smem:$0x3FFE];
	[sflag:s23] =	ssyncadd.s32 $0xFFFFFFFF  }
0xa6: {  	s26 =	simm.s32 $execute0_lowered;
	[smem:$0x3FD2] =	sst s25  }
0xa7: {  	s6 =	sshll.u32 s26, $0x1;
	_ =	strace $0x80000046;
	[dreg:$0x1] =	wrdreg $0xFFFFFFFF  }
0xa8: {  	s28 =	simm.s32 $_size_execute0_lowered;
	s4 =	sadd.s32 s4, s6;
	[dreg:$0x0] =	wrdreg $0x0  }
0xa9: {  	s6 =	sshll.u32 s28, $0x1;
	[dreg:$0x2] =	wrdreg s4  }
0xaa: {  	[dreg:$0x3] =	wrdreg s6  }
0xab: {  	[dreg:$0x4] =	wrdreg $0xC0  }
0xac: {  	_ =	task [dreg:s8], $0x5FFFF  }
0xad: {  	[dreg:$0x1] =	wrdreg $0xFFFFFFFF  }
0xae: {  	[dreg:$0x0] =	wrdreg $0x60  }
0xaf: {  	[dreg:$0x2] =	wrdreg s24  }
0xb0: {  	[dreg:$0x3] =	wrdreg s2  }
0xb1: {  	[dreg:$0x4] =	wrdreg s18  }
0xb2: {  	[dreg:$0x5] =	wrdreg $0x9  }
0xb3: {  	_ =	task.clear_ibuf [dreg:s8], $0x6FFFF;
	_ =	strace $0x90000046  }
0xb4: {  	s29 =	simm.s32 $0x9;
	_ =	strace $0x80000048  }
0xb5: {  	_ =	swait.ge [sflag:s29], $0x1  }
0xb6: {  	[sflag:s29] =	ssyncadd.s32 $0xFFFFFFFF  }
0xb7: {  	_ =	strace $0x90000048  }
0xb8: {  	_ =	sfence  }
0xb9: {  	s30 =	sld [smem:$0x0];
	_ =	sdelay $0x2  }
0xba: {  	s31 =	sshll.u32 s1, $0xD;
	s1 =	sshrl.u32 s1, $0x2  }
0xbb: {  	s3 =	sand.u32 $0x4000, s31;
	s1 =	sadd.s32 s1, s30  }
0xbc: {  	s0 =	sor.u32 s3, s0;
	s1 =	sshll.u32 s1, $0x11  }
0xbd: {  	s0 =	sor.u32 s1, s0  }
0xbe: {  	s0 =	sadd.s32 $0x8F2B, s0  }
0xbf: {  	[sflag:s0] =	ssyncadd.remote.s32 $0x1  }
0xc0: {  	_ =	sfence.sel $0xFFFF  }
0xc1: {  	[dreg:$0x0] =	wrdreg $0xFFFFFFFF;
	(pc) =	sbr.abs _section_cstart, $3  }
0xc2: {  	[dreg:$0x1] =	wrdreg $0xFFFFFFFF  }
0xc3: {  	_ =	task.clear_ibuf [dreg:s8], $0x2FFFF;
	_ =	strace $0x9FFFFFFF  }
0xc4: {  	(tm) =	ssettm $0x7FFFFFFF  }
0xc5: {  	_ =	shalt  }
tec
execute0_lowered:
.L_overlay_start_1:
0x0: {  	(tag) =	ssettag $0x1  }
0x1: {  	s0 =	rddreg [dreg:$0x0]  }
0x2: {  	s5 =	rddreg [dreg:$0x1]  }
0x3: {  	s1 =	rddreg [dreg:$0x2];
	s3 =	srdreg.scid  }
0x4: {  	s2 =	stileid.u32;
	s25 =	simm.s32 $0x0;
	s30 =	simm.s32 $0x200  }
0x5: {  	s31 =	simm.s32 $0x400;
	s17 =	simm.s32 $0x1;
	s19 =	simm.s32 $0x2  }
0x6: {  	s4 =	sand.u32 $0x1, s3;
	s3 =	smov.u32 s5;
	s24 =	sshll.u32 s2, $0x1  }
0x7: {  	[smem:$0x7FF] =	sst s25;
	s16 =	sor.u32 s4, s24;
	s4 =	ssub.s32 $0x2, s4  }
0x8: {  	_ =	strace $0x80000047;
	s14 =	sadd.s32 $0x400, s3;
	s15 =	sadd.s32 $0x600, s3  }
0x9: {  	s18 =	sadd.s32 $0x800, s3;
	s7 =	sadd.s32 $0xE00, s3;
	s8 =	sadd.s32 $0x1000, s3  }
0xa: {  	s9 =	sadd.s32 $0x1200, s3;
	s10 =	sadd.s32 $0x1400, s3;
	s11 =	sadd.s32 $0x1600, s3  }
0xb: {  	s12 =	sadd.s32 $0x1800, s3;
	s13 =	sadd.s32 $0x1A00, s3;
	[dreg:$0x5] =	wrdreg s30  }
0xc: {  	s28 =	sadd.s32 $0x1E00, s3;
	[dreg:$0x6] =	wrdreg s31;
	s5 =	sshll.u32 s16, $0xB  }
0xd: {  	s6 =	sshrl.u32 s4, $0x1;
	s26 =	sshll.u32 s16, $0x13;
	[dreg:$0x9] =	wrdreg s28  }
0xe: {  	s16 =	sadd.s32 $0x1C00, s3;
	[dreg:$0x7] =	wrdreg s15;
	s0 =	sadd.s32 s5, s0  }
0xf: {  	[dreg:$0x8] =	wrdreg s18;
	s20 =	ssub.s32 s4, s6;
	s0 =	sadd.s32 $0x400, s0  }
0x10: {  	v0 =	vlaneseq.u32;
	s4 =	sadd.s32 $0x200, s3;
	s29 =	smax.u32 s20, $0x1;
	[dreg:$0xf] =	wrdreg s0  }
0x11: {  	v1 =	vshrl.u32 v0, $0x2;
	s5 =	sadd.s32 $0xA00, s3;
	s0 =	sadd.s32 s1, s26;
	[dreg:$0x10] =	wrdreg s29  }
0x12: {  	vm0 =	vmmov $0xffff;
	v0 =	vand.u32 $0x3, v0;
	v1 =	vmul.u32 $0x8, v1;
	s6 =	sadd.s32 $0xC00, s3;
	s1 =	simm.s32 $0x0;
	[dreg:$0x4] =	wrdreg s0  }
.LBB2_1:
0x13: {  	[dreg:$0x11] =	wrdreg s1  }
0x14: {  	s2 =	simm.s32 $0x0;
	s0 =	rddreg [dreg:$0xf];
	s20 =	simm.s32 $0x3  }
0x15: {  	[tilespmem:s2], [sflag:$0x3] =	stream.linear.gather [hbm4b:s0+s2], $0x4000, $0x38;
	[tilespmem:$0x14000] =	vst v63  }
0x16: {  	_ =	swait.ge [sflag:s20], $0x4000  }
0x17: {  	[sflag:s20] =	ssyncset.done $0x0  }
0x18: {  	[sflag:s20] =	ssyncadd.s32 $0xFFFFC000  }
0x19: {  	v2 =	vld.msk [tilespmem:$0x0], $0xf;
	_ =	sdelay $0x4  }
0x1a: {  	v3 =	vshll.u32 v2, $0x6  }
0x1b: {  	v2 =	vand.u32 $0x7, v2;
	v3 =	vand.u32 $0xFFFFFE00, v3  }
0x1c: {  	v2 =	vor.u32 v2, v3  }
0x1d: {  	v2 =	vperm.xlane v2, v0;
	_ =	sdelay $0x1  }
0x1e: {  	v2 =	vadd.s32 v1, v2;
	_ =	sdelay $0x3  }
0x1f: {  	s21 =	simm.s32 $0x4000  }
0x20: {  	[tilespmem:s21], [sflag:$0x1] =	stream.indirect_vreg.gather [hbm4b:s3+s2], $0x80, v2, vm0, $0xb8;
	[tilespmem:$0x14000] =	vst v63  }
0x21: {  	s22 =	simm.s32 $0x4800  }
0x22: {  	[tilespmem:s22], [sflag:$0x1] =	stream.indirect_vreg.gather [hbm4b:s4+s2], $0x80, v2, vm0, $0xb8;
	[tilespmem:$0x14000] =	vst v63  }
0x23: {  	s23 =	simm.s32 $0x5000  }
0x24: {  	[tilespmem:s23], [sflag:$0x1] =	stream.indirect_vreg.gather [hbm4b:s14+s2], $0x80, v2, vm0, $0xb8;
	[tilespmem:$0x14000] =	vst v63  }
0x25: {  	s24 =	simm.s32 $0x5800  }
0x26: {  	[tilespmem:s24], [sflag:$0x1] =	stream.indirect_vreg.gather [hbm4b:s15+s2], $0x80, v2, vm0, $0xb8;
	[tilespmem:$0x14000] =	vst v63  }
0x27: {  	s25 =	simm.s32 $0x6000  }
0x28: {  	[tilespmem:s25], [sflag:$0x1] =	stream.indirect_vreg.gather [hbm4b:s18+s2], $0x80, v2, vm0, $0xb8;
	[tilespmem:$0x14000] =	vst v63  }
0x29: {  	s26 =	simm.s32 $0x6800  }
0x2a: {  	[tilespmem:s26], [sflag:$0x1] =	stream.indirect_vreg.gather [hbm4b:s5+s2], $0x80, v2, vm0, $0xb8;
	[tilespmem:$0x14000] =	vst v63  }
0x2b: {  	s1 =	simm.s32 $0x7000  }
0x2c: {  	[tilespmem:s1], [sflag:$0x1] =	stream.indirect_vreg.gather [hbm4b:s6+s2], $0x80, v2, vm0, $0xb8;
	[tilespmem:$0x14000] =	vst v63  }
0x2d: {  	s20 =	simm.s32 $0x7800  }
0x2e: {  	[tilespmem:s20], [sflag:$0x1] =	stream.indirect_vreg.gather [hbm4b:s7+s2], $0x80, v2, vm0, $0xb8;
	[tilespmem:$0x14000] =	vst v63  }
0x2f: {  	s21 =	simm.s32 $0x8000  }
0x30: {  	[tilespmem:s21], [sflag:$0x1] =	stream.indirect_vreg.gather [hbm4b:s8+s2], $0x80, v2, vm0, $0xb8;
	[tilespmem:$0x14000] =	vst v63  }
0x31: {  	s22 =	simm.s32 $0x8800  }
0x32: {  	[tilespmem:s22], [sflag:$0x1] =	stream.indirect_vreg.gather [hbm4b:s9+s2], $0x80, v2, vm0, $0xb8;
	[tilespmem:$0x14000] =	vst v63  }
0x33: {  	s23 =	simm.s32 $0x9000  }
0x34: {  	[tilespmem:s23], [sflag:$0x1] =	stream.indirect_vreg.gather [hbm4b:s10+s2], $0x80, v2, vm0, $0xb8;
	[tilespmem:$0x14000] =	vst v63  }
0x35: {  	s24 =	simm.s32 $0x9800  }
0x36: {  	[tilespmem:s24], [sflag:$0x1] =	stream.indirect_vreg.gather [hbm4b:s11+s2], $0x80, v2, vm0, $0xb8;
	[tilespmem:$0x14000] =	vst v63  }
0x37: {  	s25 =	simm.s32 $0xA000  }
0x38: {  	[tilespmem:s25], [sflag:$0x1] =	stream.indirect_vreg.gather [hbm4b:s12+s2], $0x80, v2, vm0, $0xb8;
	[tilespmem:$0x14000] =	vst v63  }
0x39: {  	s26 =	simm.s32 $0xA800  }
0x3a: {  	[tilespmem:s26], [sflag:$0x1] =	stream.indirect_vreg.gather [hbm4b:s13+s2], $0x80, v2, vm0, $0xb8;
	[tilespmem:$0x14000] =	vst v63  }
0x3b: {  	s1 =	simm.s32 $0xB000  }
0x3c: {  	[tilespmem:s1], [sflag:$0x1] =	stream.indirect_vreg.gather [hbm4b:s16+s2], $0x80, v2, vm0, $0xb8;
	[tilespmem:$0x14000] =	vst v63  }
0x3d: {  	s0 =	rddreg [dreg:$0x9];
	s20 =	simm.s32 $0xB800  }
0x3e: {  	[tilespmem:s20], [sflag:$0x1] =	stream.indirect_vreg.gather [hbm4b:s0+s2], $0x80, v2, vm0, $0xb8;
	[tilespmem:$0x14000] =	vst v63  }
0x3f: {  	v2 =	vld.msk [tilespmem:$0x80], $0xf;
	_ =	sdelay $0x4  }
0x40: {  	v3 =	vshll.u32 v2, $0x6  }
0x41: {  	v2 =	vand.u32 $0x7, v2;
	v3 =	vand.u32 $0xFFFFFE00, v3  }
0x42: {  	v2 =	vor.u32 v2, v3  }
0x43: {  	v2 =	vperm.xlane v2, v0;
	_ =	sdelay $0x1  }
0x44: {  	v2 =	vadd.s32 v1, v2;
	_ =	sdelay $0x3  }
0x45: {  	s21 =	simm.s32 $0xC000  }
0x46: {  	[tilespmem:s21], [sflag:$0x1] =	stream.indirect_vreg.gather [hbm4b:s3+s2], $0x80, v2, vm0, $0xb8;
	[tilespmem:$0x14000] =	vst v63  }
0x47: {  	s22 =	simm.s32 $0xC800  }
0x48: {  	[tilespmem:s22], [sflag:$0x1] =	stream.indirect_vreg.gather [hbm4b:s4+s2], $0x80, v2, vm0, $0xb8;
	[tilespmem:$0x14000] =	vst v63  }
0x49: {  	s23 =	simm.s32 $0xD000  }
0x4a: {  	[tilespmem:s23], [sflag:$0x1] =	stream.indirect_vreg.gather [hbm4b:s14+s2], $0x80, v2, vm0, $0xb8;
	[tilespmem:$0x14000] =	vst v63  }
0x4b: {  	s24 =	simm.s32 $0xD800  }
0x4c: {  	[tilespmem:s24], [sflag:$0x1] =	stream.indirect_vreg.gather [hbm4b:s15+s2], $0x80, v2, vm0, $0xb8;
	[tilespmem:$0x14000] =	vst v63  }
0x4d: {  	s25 =	simm.s32 $0xE000  }
0x4e: {  	[tilespmem:s25], [sflag:$0x1] =	stream.indirect_vreg.gather [hbm4b:s18+s2], $0x80, v2, vm0, $0xb8;
	[tilespmem:$0x14000] =	vst v63  }
0x4f: {  	s26 =	simm.s32 $0xE800  }
0x50: {  	[tilespmem:s26], [sflag:$0x1] =	stream.indirect_vreg.gather [hbm4b:s5+s2], $0x80, v2, vm0, $0xb8;
	[tilespmem:$0x14000] =	vst v63  }
0x51: {  	s20 =	simm.s32 $0xF000  }
0x52: {  	[tilespmem:s20], [sflag:$0x1] =	stream.indirect_vreg.gather [hbm4b:s6+s2], $0x80, v2, vm0, $0xb8;
	[tilespmem:$0x14000] =	vst v63  }
0x53: {  	s21 =	simm.s32 $0xF800  }
0x54: {  	[tilespmem:s21], [sflag:$0x1] =	stream.indirect_vreg.gather [hbm4b:s7+s2], $0x80, v2, vm0, $0xb8;
	[tilespmem:$0x14000] =	vst v63  }
0x55: {  	s22 =	simm.s32 $0x10000  }
0x56: {  	[tilespmem:s22], [sflag:$0x1] =	stream.indirect_vreg.gather [hbm4b:s8+s2], $0x80, v2, vm0, $0xb8;
	[tilespmem:$0x14000] =	vst v63  }
0x57: {  	s23 =	simm.s32 $0x10800  }
0x58: {  	[tilespmem:s23], [sflag:$0x1] =	stream.indirect_vreg.gather [hbm4b:s9+s2], $0x80, v2, vm0, $0xb8;
	[tilespmem:$0x14000] =	vst v63  }
0x59: {  	s24 =	simm.s32 $0x11000  }
0x5a: {  	[tilespmem:s24], [sflag:$0x1] =	stream.indirect_vreg.gather [hbm4b:s10+s2], $0x80, v2, vm0, $0xb8;
	[tilespmem:$0x14000] =	vst v63  }
0x5b: {  	s25 =	simm.s32 $0x11800  }
0x5c: {  	[tilespmem:s25], [sflag:$0x1] =	stream.indirect_vreg.gather [hbm4b:s11+s2], $0x80, v2, vm0, $0xb8;
	[tilespmem:$0x14000] =	vst v63  }
0x5d: {  	s26 =	simm.s32 $0x12000  }
0x5e: {  	[tilespmem:s26], [sflag:$0x1] =	stream.indirect_vreg.gather [hbm4b:s12+s2], $0x80, v2, vm0, $0xb8;
	[tilespmem:$0x14000] =	vst v63  }
0x5f: {  	s20 =	simm.s32 $0x12800  }
0x60: {  	[tilespmem:s20], [sflag:$0x1] =	stream.indirect_vreg.gather [hbm4b:s13+s2], $0x80, v2, vm0, $0xb8;
	[tilespmem:$0x14000] =	vst v63  }
0x61: {  	s21 =	simm.s32 $0x13000  }
0x62: {  	[tilespmem:s21], [sflag:$0x1] =	stream.indirect_vreg.gather [hbm4b:s16+s2], $0x80, v2, vm0, $0xb8;
	[tilespmem:$0x14000] =	vst v63  }
0x63: {  	s22 =	simm.s32 $0x13800  }
0x64: {  	[tilespmem:s22], [sflag:$0x1] =	stream.indirect_vreg.gather [hbm4b:s0+s2], $0x80, v2, vm0, $0xb8;
	[tilespmem:$0x14000] =	vst v63  }
0x65: {  	_ =	swait.ge [sflag:s17], $0x8000  }
0x66: {  	s28 =	sand.u32 $0x7E000, s2;
	s26 =	simm.s32 $0x0;
	s23 =	rddreg [dreg:$0x4]  }
0x67: {  	s24 =	sand.u32 $0x40, s2;
	s26 =	sand.u32 $0x8000, s26;
	s25 =	rddreg [dreg:$0x6]  }
0x68: {  	s29 =	rddreg [dreg:$0x5];
	[sflag:s17] =	ssyncset.done $0x0;
	s0 =	sadd.s32 s28, s23  }
0x69: {  	[sflag:s17] =	ssyncadd.s32 $0xFFFF8000;
	s28 =	sor.u32 $0x4000, s26;
	s0 =	sadd.s32 s24, s0  }
0x6a: {  	[hbm4b:s0+s29] =	stream.strided.scatter [tilespmem:s28], [sflag:$0x2], $0x8000, s25, s29, $0x38;
	[tilespmem:$0x14000] =	vst v63  }
0x6b: {  	_ =	swait.ge [sflag:s19], $0x8000  }
0x6c: {  	[sflag:s19] =	ssyncset.done $0x0  }
0x6d: {  	p0 =	por $0x0, $0x0;
	s0 =	simm.s32 $0x100;
	[sflag:s19] =	ssyncadd.s32 $0xFFFF8000  }
0x6e: {  	v2 =	vld.msk @!p0 [tilespmem:s0+$0x0], $0xf;
	_ =	sdelay $0x4  }
0x6f: {  	v3 =	vshll.u32 @!p0 v2, $0x6  }
0x70: {  	v4 =	vlaneseq.u32 @!p0;
	v2 =	vand.u32 @!p0 $0x7, v2;
	v3 =	vand.u32 @!p0 $0xFFFFFE00, v3  }
0x71: {  	v5 =	vand.u32 @!p0 $0x3, v4;
	v4 =	vshrl.u32 @!p0 v4, $0x2;
	v2 =	vor.u32 @!p0 v2, v3  }
0x72: {  	v3 =	vmul.u32 @!p0 $0x8, v4;
	v2 =	vperm.xlane @!p0 v2, v5;
	_ =	sdelay $0x1  }
0x73: {  	v2 =	vadd.s32 @!p0 v3, v2;
	_ =	sdelay $0x3  }
0x74: {  	vm1 =	vmmov @!p0 $0xffff;
	s30 =	simm.s32 @!p0 $0x0  }
0x75: {  	[tilespmem:s28], [sflag:$0x1] =	stream.indirect_vreg.gather @!p0 [hbm4b:s3+s30], $0x80, v2, vm1, $0xb8;
	[tilespmem:$0x14000] =	vst v63  }
0x76: {  	s0 =	sadd.s32 @!p0 $0x4800, s26  }
0x77: {  	[tilespmem:s0], [sflag:$0x1] =	stream.indirect_vreg.gather @!p0 [hbm4b:s4+s30], $0x80, v2, vm1, $0xb8;
	[tilespmem:$0x14000] =	vst v63  }
0x78: {  	s0 =	sadd.s32 @!p0 $0x5000, s26  }
0x79: {  	[tilespmem:s0], [sflag:$0x1] =	stream.indirect_vreg.gather @!p0 [hbm4b:s14+s30], $0x80, v2, vm1, $0xb8;
	[tilespmem:$0x14000] =	vst v63  }
0x7a: {  	s0 =	sadd.s32 @!p0 $0x5800, s26  }
0x7b: {  	[tilespmem:s0], [sflag:$0x1] =	stream.indirect_vreg.gather @!p0 [hbm4b:s15+s30], $0x80, v2, vm1, $0xb8;
	[tilespmem:$0x14000] =	vst v63  }
0x7c: {  	s0 =	sadd.s32 @!p0 $0x6000, s26  }
0x7d: {  	[tilespmem:s0], [sflag:$0x1] =	stream.indirect_vreg.gather @!p0 [hbm4b:s18+s30], $0x80, v2, vm1, $0xb8;
	[tilespmem:$0x14000] =	vst v63  }
0x7e: {  	s0 =	sadd.s32 @!p0 $0x6800, s26  }
0x7f: {  	[tilespmem:s0], [sflag:$0x1] =	stream.indirect_vreg.gather @!p0 [hbm4b:s5+s30], $0x80, v2, vm1, $0xb8;
	[tilespmem:$0x14000] =	vst v63  }
0x80: {  	s0 =	sadd.s32 @!p0 $0x7000, s26  }
0x81: {  	[tilespmem:s0], [sflag:$0x1] =	stream.indirect_vreg.gather @!p0 [hbm4b:s6+s30], $0x80, v2, vm1, $0xb8;
	[tilespmem:$0x14000] =	vst v63  }
0x82: {  	s0 =	sadd.s32 @!p0 $0x7800, s26  }
0x83: {  	[tilespmem:s0], [sflag:$0x1] =	stream.indirect_vreg.gather @!p0 [hbm4b:s7+s30], $0x80, v2, vm1, $0xb8;
	[tilespmem:$0x14000] =	vst v63  }
0x84: {  	s0 =	sadd.s32 @!p0 $0x8000, s26  }
0x85: {  	[tilespmem:s0], [sflag:$0x1] =	stream.indirect_vreg.gather @!p0 [hbm4b:s8+s30], $0x80, v2, vm1, $0xb8;
	[tilespmem:$0x14000] =	vst v63  }
0x86: {  	s0 =	sadd.s32 @!p0 $0x8800, s26  }
0x87: {  	[tilespmem:s0], [sflag:$0x1] =	stream.indirect_vreg.gather @!p0 [hbm4b:s9+s30], $0x80, v2, vm1, $0xb8;
	[tilespmem:$0x14000] =	vst v63  }
0x88: {  	s0 =	sadd.s32 @!p0 $0x9000, s26  }
0x89: {  	[tilespmem:s0], [sflag:$0x1] =	stream.indirect_vreg.gather @!p0 [hbm4b:s10+s30], $0x80, v2, vm1, $0xb8;
	[tilespmem:$0x14000] =	vst v63  }
0x8a: {  	s0 =	sadd.s32 @!p0 $0x9800, s26  }
0x8b: {  	[tilespmem:s0], [sflag:$0x1] =	stream.indirect_vreg.gather @!p0 [hbm4b:s11+s30], $0x80, v2, vm1, $0xb8;
	[tilespmem:$0x14000] =	vst v63  }
0x8c: {  	s31 =	sadd.s32 @!p0 $0xB800, s26;
	s24 =	simm.s32 $0x1;
	s0 =	sadd.s32 @!p0 $0xA000, s26  }
0x8d: {  	[tilespmem:s0], [sflag:$0x1] =	stream.indirect_vreg.gather @!p0 [hbm4b:s12+s30], $0x80, v2, vm1, $0xb8;
	[tilespmem:$0x14000] =	vst v63  }
0x8e: {  	s25 =	simm.s32 $0x20000;
	s29 =	simm.s32 $0x40;
	s0 =	sadd.s32 @!p0 $0xA800, s26  }
0x8f: {  	[tilespmem:s0], [sflag:$0x1] =	stream.indirect_vreg.gather @!p0 [hbm4b:s13+s30], $0x80, v2, vm1, $0xb8;
	[tilespmem:$0x14000] =	vst v63  }
0x90: {  	s28 =	simm.s32 $0x1000;
	s0 =	sadd.s32 @!p0 $0xB000, s26;
	s26 =	simm.s32 $0x180  }
0x91: {  	[tilespmem:s0], [sflag:$0x1] =	stream.indirect_vreg.gather @!p0 [hbm4b:s16+s30], $0x80, v2, vm1, $0xb8;
	[tilespmem:$0x14000] =	vst v63  }
.LBB2_2:
0x92: {  	s0 =	rddreg [dreg:$0x9]  }
0x93: {  	s20 =	sshrl.u32 s25, $0x2;
	s21 =	sand.u32 $0x7E000, s28;
	s18 =	smov.u32 s14  }
0x94: {  	[tilespmem:s31], [sflag:$0x1] =	stream.indirect_vreg.gather @!p0 [hbm4b:s0+s30], $0x80, v2, vm1, $0xb8;
	[tilespmem:$0x14000] =	vst v63  }
0x95: {  	s14 =	smov.u32 s3;
	s20 =	sand.u32 $0x8000, s20;
	_ =	swait.ge [sflag:s17], $0x8000  }
0x96: {  	s31 =	sand.u32 $0x40, s29;
	s3 =	sor.u32 $0x4000, s20;
	s30 =	rddreg [dreg:$0x4]  }
0x97: {  	s22 =	rddreg [dreg:$0x6];
	[sflag:s17] =	ssyncset.done $0x0;
	s21 =	sadd.s32 s21, s30  }
0x98: {  	s23 =	rddreg [dreg:$0x5];
	[sflag:s17] =	ssyncadd.s32 $0xFFFF8000;
	s21 =	sadd.s32 s31, s21  }
0x99: {  	[hbm4b:s21+s23] =	stream.strided.scatter [tilespmem:s3], [sflag:$0x2], $0x8000, s22, s23, $0x38;
	[tilespmem:$0x14000] =	vst v63  }
0x9a: {  	_ =	swait.ge [sflag:s19], $0x8000  }
0x9b: {  	s2 =	smov.u32 s24;
	[sflag:s19] =	ssyncset.done $0x0  }
0x9c: {  	p0 =	sgt.u32 s2, $0x7D;
	[sflag:s19] =	ssyncadd.s32 $0xFFFF8000  }
0x9d: {  	v2 =	vld.msk @!p0 [tilespmem:s26+$0x0], $0xf;
	_ =	sdelay $0x4  }
0x9e: {  	v5 =	vshll.u32 @!p0 v2, $0x6  }
0x9f: {  	v3 =	vlaneseq.u32 @!p0;
	v2 =	vand.u32 @!p0 $0x7, v2;
	v5 =	vand.u32 @!p0 $0xFFFFFE00, v5  }
0xa0: {  	v4 =	vand.u32 @!p0 $0x3, v3;
	v3 =	vshrl.u32 @!p0 v3, $0x2;
	v2 =	vor.u32 @!p0 v2, v5  }
0xa1: {  	v3 =	vmul.u32 @!p0 $0x8, v3;
	v2 =	vperm.xlane @!p0 v2, v4  }
0xa2: {  	s30 =	sadd.s32 @!p0 $0x9000, s20  }
0xa3: {  	[dreg:$0xe] =	wrdreg s30;
	s30 =	sadd.s32 @!p0 $0x9800, s20;
	v2 =	vadd.s32 @!p0 v3, v2  }
0xa4: {  	[dreg:$0xd] =	wrdreg s30;
	s30 =	sadd.s32 @!p0 $0xA000, s20  }
0xa5: {  	[dreg:$0xc] =	wrdreg s30;
	s30 =	sadd.s32 @!p0 $0xA800, s20  }
0xa6: {  	[dreg:$0xb] =	wrdreg s30;
	s30 =	sadd.s32 @!p0 $0xB000, s20  }
0xa7: {  	vm1 =	vmmov @!p0 $0xffff;
	[dreg:$0xa] =	wrdreg s30;
	s30 =	simm.s32 @!p0 $0x0  }
0xa8: {  	[tilespmem:s3], [sflag:$0x1] =	stream.indirect_vreg.gather @!p0 [hbm4b:s14+s30], $0x80, v2, vm1, $0xb8;
	[tilespmem:$0x14000] =	vst v63  }
0xa9: {  	s15 =	smov.u32 s4;
	s4 =	sadd.s32 @!p0 $0x4800, s20  }
0xaa: {  	[tilespmem:s4], [sflag:$0x1] =	stream.indirect_vreg.gather @!p0 [hbm4b:s15+s30], $0x80, v2, vm1, $0xb8;
	[tilespmem:$0x14000] =	vst v63  }
0xab: {  	s21 =	sadd.s32 @!p0 $0x5000, s20;
	s3 =	smov.u32 s14;
	s14 =	smov.u32 s18  }
0xac: {  	[tilespmem:s21], [sflag:$0x1] =	stream.indirect_vreg.gather @!p0 [hbm4b:s14+s30], $0x80, v2, vm1, $0xb8;
	[tilespmem:$0x14000] =	vst v63  }
0xad: {  	s23 =	sadd.s32 @!p0 $0x5800, s20;
	s4 =	smov.u32 s15;
	s15 =	rddreg [dreg:$0x7]  }
0xae: {  	[tilespmem:s23], [sflag:$0x1] =	stream.indirect_vreg.gather @!p0 [hbm4b:s15+s30], $0x80, v2, vm1, $0xb8;
	[tilespmem:$0x14000] =	vst v63  }
0xaf: {  	s2 =	sadd.s32 @!p0 $0x6000, s20;
	s18 =	rddreg [dreg:$0x8]  }
0xb0: {  	[tilespmem:s2], [sflag:$0x1] =	stream.indirect_vreg.gather @!p0 [hbm4b:s18+s30], $0x80, v2, vm1, $0xb8;
	[tilespmem:$0x14000] =	vst v63  }
0xb1: {  	s19 =	sadd.s32 @!p0 $0x6800, s20  }
0xb2: {  	[tilespmem:s19], [sflag:$0x1] =	stream.indirect_vreg.gather @!p0 [hbm4b:s5+s30], $0x80, v2, vm1, $0xb8;
	[tilespmem:$0x14000] =	vst v63  }
0xb3: {  	s1 =	sadd.s32 @!p0 $0x7000, s20  }
0xb4: {  	[tilespmem:s1], [sflag:$0x1] =	stream.indirect_vreg.gather @!p0 [hbm4b:s6+s30], $0x80, v2, vm1, $0xb8;
	[tilespmem:$0x14000] =	vst v63  }
0xb5: {  	s22 =	sadd.s32 @!p0 $0x7800, s20  }
0xb6: {  	[tilespmem:s22], [sflag:$0x1] =	stream.indirect_vreg.gather @!p0 [hbm4b:s7+s30], $0x80, v2, vm1, $0xb8;
	[tilespmem:$0x14000] =	vst v63  }
0xb7: {  	s0 =	sadd.s32 @!p0 $0x8000, s20  }
0xb8: {  	[tilespmem:s0], [sflag:$0x1] =	stream.indirect_vreg.gather @!p0 [hbm4b:s8+s30], $0x80, v2, vm1, $0xb8;
	[tilespmem:$0x14000] =	vst v63  }
0xb9: {  	s17 =	sadd.s32 @!p0 $0x8800, s20  }
0xba: {  	[tilespmem:s17], [sflag:$0x1] =	stream.indirect_vreg.gather @!p0 [hbm4b:s9+s30], $0x80, v2, vm1, $0xb8;
	[tilespmem:$0x14000] =	vst v63  }
0xbb: {  	s0 =	rddreg [dreg:$0xe]  }
0xbc: {  	[tilespmem:s0], [sflag:$0x1] =	stream.indirect_vreg.gather @!p0 [hbm4b:s10+s30], $0x80, v2, vm1, $0xb8;
	[tilespmem:$0x14000] =	vst v63  }
0xbd: {  	s24 =	sadd.s32 $0x1, s24;
	s0 =	rddreg [dreg:$0xd]  }
0xbe: {  	[tilespmem:s0], [sflag:$0x1] =	stream.indirect_vreg.gather @!p0 [hbm4b:s11+s30], $0x80, v2, vm1, $0xb8;
	[tilespmem:$0x14000] =	vst v63  }
0xbf: {  	s25 =	sadd.s32 $0x20000, s25;
	p1 =	sne.s32 s24, $0x80;
	s0 =	rddreg [dreg:$0xc]  }
0xc0: {  	[tilespmem:s0], [sflag:$0x1] =	stream.indirect_vreg.gather @!p0 [hbm4b:s12+s30], $0x80, v2, vm1, $0xb8;
	[tilespmem:$0x14000] =	vst v63  }
.Ltmp0:
0xc1: {  	s28 =	sadd.s32 $0x1000, s28;
	s29 =	sadd.s32 $0x40, s29;
	(pc) =	sbr.rel @p1 .LBB2_2-.Ltmp0, $4  }
0xc2: {  	s31 =	sadd.s32 @!p0 $0xB800, s20;
	s26 =	sadd.s32 $0x80, s26;
	s0 =	rddreg [dreg:$0xb]  }
0xc3: {  	[tilespmem:s0], [sflag:$0x1] =	stream.indirect_vreg.gather @!p0 [hbm4b:s13+s30], $0x80, v2, vm1, $0xb8;
	[tilespmem:$0x14000] =	vst v63  }
0xc4: {  	s19 =	simm.s32 $0x2;
	s17 =	simm.s32 $0x1;
	s0 =	rddreg [dreg:$0xa]  }
0xc5: {  	[tilespmem:s0], [sflag:$0x1] =	stream.indirect_vreg.gather @!p0 [hbm4b:s16+s30], $0x80, v2, vm1, $0xb8;
	[tilespmem:$0x14000] =	vst v63  }
0xc6: {  	_ =	sdelay $0x1  }
0xc7: {  	s0 =	rddreg [dreg:$0x9]  }
0xc8: {  	s1 =	rddreg [dreg:$0x11]  }
0xc9: {  	[tilespmem:s31], [sflag:$0x1] =	stream.indirect_vreg.gather @!p0 [hbm4b:s0+s30], $0x80, v2, vm1, $0xb8;
	[tilespmem:$0x14000] =	vst v63  }
0xca: {  	s1 =	sadd.s32 $0x1, s1;
	s31 =	rddreg [dreg:$0x10]  }
0xcb: {  	p0 =	sne.s32 s1, s31  }
.Ltmp1:
0xcc: {  	_ = 	snop;
	(pc) =	sbr.rel @p0 .LBB2_1-.Ltmp1, $1  }
0xcd: {  	_ =	sdelay $0x3  }
0xce: {  	_ =	sfence.sel $0x180000  }
0xcf: {  	[bflag:$0x0] =	sbarrier.arrive $0xFFFF  }
0xd0: {  	_ =	strace $0x90000047  }
0xd1: {  	s0 =	stileid.u32;
	[bflag:$0x2] =	sbarrier.arrive $0xFFFF  }
0xd2: {  	p0 =	sne.s32 s0, $0x0;
	s0 =	rddreg [dreg:$0x3]  }
0xd3: {  	s0 =	sadd.s32 @!p0 $0x100000, s0  }
0xd4: {  	[sflag:s0] =	ssyncadd.tile.s32 @!p0 $0x1;
	_ =	shalt  }
.Lfunc_end2:
_tile_overlayer_lowered:
.L_overlay_start_2:
0xd5: {  	(tag) =	ssettag $0x2  }
0xd6: {  	s0 =	rddreg [dreg:$0x0];
	s2 =	stileid.u32  }
0xd7: {  	s1 =	rddreg [dreg:$0x1];
	p0 =	sne.s32 s2, $0x0  }
0xd8: {  	s3 =	rddreg [dreg:$0x2];
	[bflag:$0x3] =	sbarrier.arrive $0xFFFF;
	s2 =	simm.s32 @!p0 $0x1C03  }
0xd9: {  	[timem:s3], [sflag:s2] =	dma.local @!p0 [hbm:s0], s1  }
0xda: {  	s0 =	simm.s32 @!p0 $0x3  }
0xdb: {  	_ =	swait.ge @!p0 [sflag:s0], s1  }
0xdc: {  	s1 =	ssub.s32 @!p0 $0x0, s1;
	[sflag:s0] =	ssyncset.done @!p0 $0x0  }
0xdd: {  	[sflag:s0] =	ssyncadd.s32 @!p0 s1  }
0xde: {  	[bflag:$0x3] =	sbarrier.arrive $0xFFFF  }
0xdf: {  	_ =	shalt  }

</sc_bundles>
